<compile_context>
chip_gen: v7x
topology: tpu7x:2x2x1
jax: 0.10.2.dev20260603
libtpu: 0.0.44.dev20260713+nightly
codegen_flags: <defaults>
</compile_context>

<pallas_src>
import functools
import math

import jax
import jax.numpy as jnp
from jax import lax
from jax.experimental import pallas as pl
from jax.experimental.pallas import tpu as pltpu
from jax.experimental.pallas import tpu_sc as plsc


def _vq_kernel(x_ref, xsq_ref, esq_ref, emb_ref,
               idx_ref, kl_ref, cnt_ref, perp_ref,
               *, rblks, m, inv_positions, log_m):
    n = pl.program_id(0)
    r = pl.program_id(1)

    x_blk = x_ref[0]
    xsq = xsq_ref[0]
    esq = esq_ref[0]
    emb = emb_ref[0]

    g = jax.lax.dot_general(
        x_blk, emb, (((1,), (1,)), ((), ())),
        preferred_element_type=jnp.float32)
    logits = 2.0 * g - (esq + xsq)
    mx = jnp.max(logits, axis=1, keepdims=True)
    shifted = logits - mx
    u = jnp.exp(shifted)
    s_col = u[:, 0:128]
    for i in range(1, u.shape[1] // 128):
        s_col = s_col + u[:, i * 128:(i + 1) * 128]
    b = s_col[:, 0:8]
    for k in range(1, 16):
        b = b + s_col[:, 8 * k:8 * k + 8]
    v4 = b[:, 0:4] + b[:, 4:8]
    v2 = v4[:, 0:2] + v4[:, 2:4]
    s = v2[:, 0:1] + v2[:, 1:2]
    p = u / s
    log_p = shifted - jnp.log(s)

    mxp = jnp.max(p, axis=1, keepdims=True)
    iota = jax.lax.broadcasted_iota(jnp.int32, p.shape, 1)
    idx = jnp.min(jnp.where(p == mxp, iota, m), axis=1, keepdims=True)
    onehot = (iota == idx).astype(jnp.float32)

    idx_ref[0] = idx + n * m

    kl_t = p * (log_p + log_m)
    kl_blk = jnp.sum(kl_t, keepdims=True)

    @pl.when(jnp.logical_and(n == 0, r == 0))
    def _init_scalars():
        kl_ref[...] = jnp.zeros((1, 1), jnp.float32)
        perp_ref[...] = jnp.zeros((1, 1), jnp.float32)

    kl_ref[...] += kl_blk

    @pl.when(r == 0)
    def _init_counts():
        cnt_ref[0] = jnp.zeros_like(cnt_ref[0])

    cnt_ref[0] += jnp.sum(onehot, axis=0, keepdims=True)

    @pl.when(r == rblks - 1)
    def _perp():
        avg = cnt_ref[0] * inv_positions
        ent = jnp.sum(avg * jnp.log(avg + 1e-10), axis=1, keepdims=True)
        perp_ref[...] += jnp.exp(-ent)


def _make_sc_gather(total, d):
    info = plsc.get_sparse_core_info()
    nw = info.num_cores * info.num_subcores
    b_per_w = total // nw
    mesh = plsc.VectorSubcoreMesh(core_axis_name="c", subcore_axis_name="s")

    @functools.partial(
        pl.kernel, mesh=mesh,
        compiler_params=pltpu.CompilerParams(use_tc_tiling_on_sc=False),
        out_type=jax.ShapeDtypeStruct((total, d), jnp.float32),
        scratch_types=[
            pltpu.VMEM((b_per_w,), jnp.int32),
            pltpu.VMEM((b_per_w, d), jnp.float32),
            pltpu.SemaphoreType.DMA,
        ],
    )
    def gather_k(table_hbm, idx_hbm, out_hbm, idx_v, rows_v, sem):
        wid = lax.axis_index("s") * info.num_cores + lax.axis_index("c")
        base = wid * b_per_w
        pltpu.sync_copy(idx_hbm.at[pl.ds(base, b_per_w)], idx_v)
        pltpu.async_copy(table_hbm.at[idx_v], rows_v, sem).wait()
        pltpu.sync_copy(rows_v, out_hbm.at[pl.ds(base, b_per_w)])

    return gather_k


def kernel(x, embedding):
    B, C, H, W = x.shape
    N, M, D = embedding.shape
    positions = B * H * W
    x_flat = x.reshape(B, N, D, H, W).transpose(1, 0, 3, 4, 2)
    x_flat = x_flat.reshape(N, positions, D)
    x_sq = jnp.sum(x_flat ** 2, axis=2, keepdims=True)
    e_sq = jnp.sum(embedding ** 2, axis=2)[:, None, :]

    rows = 256
    rblks = positions // rows
    kern = functools.partial(
        _vq_kernel, rblks=rblks, m=M,
        inv_positions=1.0 / positions, log_m=float(math.log(M)))
    idx_q, kl, _cnt, perp = pl.pallas_call(
        kern,
        grid=(N, rblks),
        in_specs=[
            pl.BlockSpec((1, rows, D), lambda n, r: (n, r, 0)),
            pl.BlockSpec((1, rows, 1), lambda n, r: (n, r, 0)),
            pl.BlockSpec((1, 1, M), lambda n, r: (n, 0, 0)),
            pl.BlockSpec((1, M, D), lambda n, r: (n, 0, 0)),
        ],
        out_specs=[
            pl.BlockSpec((1, rows, 1), lambda n, r: (n, r, 0)),
            pl.BlockSpec((1, 1), lambda n, r: (0, 0)),
            pl.BlockSpec((1, 1, M), lambda n, r: (n, 0, 0)),
            pl.BlockSpec((1, 1), lambda n, r: (0, 0)),
        ],
        out_shape=[
            jax.ShapeDtypeStruct((N, positions, 1), jnp.int32),
            jax.ShapeDtypeStruct((1, 1), jnp.float32),
            jax.ShapeDtypeStruct((N, 1, M), jnp.float32),
            jax.ShapeDtypeStruct((1, 1), jnp.float32),
        ],
    )(x_flat, x_sq, e_sq, embedding)

    table = embedding.astype(jnp.bfloat16).astype(jnp.float32).reshape(N * M, D)
    idx_flat = idx_q.reshape(N * positions)
    out_q = _make_sc_gather(N * positions, D)(table, idx_flat)

    out = out_q.reshape(N, B, H, W, D).transpose(1, 0, 4, 2, 3)
    out = out.reshape(B, C, H, W)
    return out, kl[0, 0] / B, perp[0, 0]

# --- scband reference (transcript-rebuilt; emitter-appended) ---
"""Pipeline reference for scband-vqembedding-gssoft-1984274891176 (READ-ONLY COPY).

The authoritative reference and input builder live on the scoring server;
editing this copy changes nothing except your own understanding.
"""

import jax, jax.numpy as jnp
import numpy as np
import math

def setup_inputs(seed: int = 0):
    key = jax.random.key(seed)
    k1, k2 = jax.random.split(key)
    B, N, D, H, W = 2, 2, 32, 32, 32
    M = 8192
    x = jax.random.normal(k1, (B, N * D, H, W), dtype=jnp.float32)
    embedding = jax.random.uniform(k2, (N, M, D), dtype=jnp.float32, minval=-1.0 / M, maxval=1.0 / M)
    return {"x": x, "embedding": embedding}

def reference(x, embedding):
    B, C, H, W = x.shape
    N, M, D = embedding.shape
    assert C == N * D
    xr = x.reshape(B, N, D, H, W).transpose(1, 0, 3, 4, 2)  # [N, B, H, W, D]
    x_flat = xr.reshape(N, -1, D)
    e_sq = jnp.sum(embedding ** 2, axis=2)[:, None, :]
    x_sq = jnp.sum(x_flat ** 2, axis=2, keepdims=True)
    distances = e_sq + x_sq - 2.0 * jnp.einsum('nbd,nmd->nbm', x_flat, embedding)
    distances = distances.reshape(N, B, H, W, M)
    logits = -distances
    # RelaxedOneHotCategorical.probs / .logits are temperature-independent
    probs = jax.nn.softmax(logits, axis=-1)
    log_probs = jax.nn.log_softmax(logits, axis=-1)
    # eval path: hard argmax one-hot (deterministic)
    idx = jnp.argmax(probs, axis=-1)
    samples = jax.nn.one_hot(idx, M, dtype=x.dtype).reshape(N, -1, M)
    quantized = jnp.einsum('nbm,nmd->nbd', samples, embedding).reshape(N, B, H, W, D)
    KL = probs * (log_probs + math.log(M))
    KL = jnp.where(probs == 0, 0.0, KL)
    KL = KL.sum(axis=(0, 2, 3, 4)).mean()
    avg_probs = jnp.mean(samples, axis=1)
    perplexity = jnp.exp(-jnp.sum(avg_probs * jnp.log(avg_probs + 1e-10), axis=-1))
    out = quantized.transpose(1, 0, 4, 2, 3).reshape(B, C, H, W)
    return out, KL, perplexity.sum()

if __name__ == "__main__":
    import jax
    _d = setup_inputs()
    print(jax.jit(kernel)(*tuple(_d.values())))

</pallas_src>

<mosaic_0001>
#map = affine_map<(d0, d1) -> (0, 0)>
#map1 = affine_map<(d0, d1) -> (0)>
module attributes {stable_mosaic.version = 14 : i64} {
  func.func @gather_k(%arg0: i32, %arg1: i32, %arg2: memref<16384x32xf32, #tpu.memory_space<hbm>>, %arg3: memref<4096xi32, #tpu.memory_space<hbm>>, %arg4: memref<4096x32xf32, #tpu.memory_space<hbm>>, %arg5: memref<128xi32, #tpu.memory_space<vmem>>, %arg6: memref<128x32xf32, #tpu.memory_space<vmem>>, %arg7: memref<!tpu.dma_semaphore, #tpu.memory_space<semaphore_mem>>) attributes {dimension_semantics = [#tpu.dimension_semantics<core_parallel>, #tpu.dimension_semantics<subcore_parallel>], iteration_bounds = array<i64: 2, 16>, scalar_prefetch = 0 : i64, scratch_operands = 3 : i64, tpu.core_type = #tpu.core_type<sc_vector_subcore>, window_params = [{transform_indices = #map}, {transform_indices = #map1}, {transform_indices = #map}]} {
    %mul3A = arith.constant 2 : i32
    %mul3A_0 = arith.muli %arg1, %mul3A : i32
    %add3A = arith.addi %mul3A_0, %arg0 : i32
    %mul3A_1 = arith.constant 128 : i32
    %mul3A_2 = arith.muli %add3A, %mul3A_1 : i32
    "tpu.region"() ({
      %run_scoped3A = tpu.sem_alloc : memref<!tpu.dma_semaphore, #tpu.memory_space<semaphore_mem>>
      %dma_start3A_7 = tpu.memref_slice %arg3[%mul3A_2] : memref<4096xi32, #tpu.memory_space<hbm>> -> memref<128xi32, #tpu.memory_space<hbm>>
      %dma_start3A_8 = tpu.memref_slice %arg3[%mul3A_2] : memref<4096xi32, #tpu.memory_space<hbm>> -> memref<128xi32, #tpu.memory_space<hbm>>
      tpu.enqueue_dma source(%dma_start3A_8 : memref<128xi32, #tpu.memory_space<hbm>>) target(%arg5 : memref<128xi32, #tpu.memory_space<vmem>>) target_semaphore(%run_scoped3A : memref<!tpu.dma_semaphore, #tpu.memory_space<semaphore_mem>>)
      %dma_wait3A_9 = tpu.memref_slice %arg3[%mul3A_2] : memref<4096xi32, #tpu.memory_space<hbm>> -> memref<128xi32, #tpu.memory_space<hbm>>
      %dma_wait3A_10 = tpu.memref_slice %arg3[%mul3A_2] : memref<4096xi32, #tpu.memory_space<hbm>> -> memref<128xi32, #tpu.memory_space<hbm>>
      tpu.wait_dma2 semaphore(%run_scoped3A : memref<!tpu.dma_semaphore, #tpu.memory_space<semaphore_mem>>) src(%dma_wait3A_10 : memref<128xi32, #tpu.memory_space<hbm>>) dst(%arg5 : memref<128xi32, #tpu.memory_space<vmem>>)
      tpu.yield
    }) : () -> ()
    %dma_start3A = arith.constant 0 : i32
    %dma_start3A_3 = arith.constant 0 : i32
    %dma_start3A_4 = tpu.memref_slice %arg2[%dma_start3A, %dma_start3A_3] : memref<16384x32xf32, #tpu.memory_space<hbm>> -> memref<16384x32xf32, #tpu.memory_space<hbm>>
    tpu.enqueue_indirect_dma source(%dma_start3A_4 : memref<16384x32xf32, #tpu.memory_space<hbm>>) target(%arg6 : memref<128x32xf32, #tpu.memory_space<vmem>>) offsets(%arg5 : memref<128xi32, #tpu.memory_space<vmem>>) semaphore(%arg7 : memref<!tpu.dma_semaphore, #tpu.memory_space<semaphore_mem>>)
    %dma_wait3A = arith.constant 0 : i32
    %dma_wait3A_5 = arith.constant 0 : i32
    %dma_wait3A_6 = tpu.memref_slice %arg2[%dma_wait3A, %dma_wait3A_5] : memref<16384x32xf32, #tpu.memory_space<hbm>> -> memref<16384x32xf32, #tpu.memory_space<hbm>>
    tpu.wait_indirect_dma semaphore(%arg7 : memref<!tpu.dma_semaphore, #tpu.memory_space<semaphore_mem>>) src(%dma_wait3A_6 : memref<16384x32xf32, #tpu.memory_space<hbm>>) dst(%arg6 : memref<128x32xf32, #tpu.memory_space<vmem>>)
    "tpu.region"() ({
      %run_scoped3A = tpu.sem_alloc : memref<!tpu.dma_semaphore, #tpu.memory_space<semaphore_mem>>
      %dma_start3A_7 = arith.constant 0 : i32
      %dma_start3A_8 = tpu.memref_slice %arg4[%mul3A_2, %dma_start3A_7] : memref<4096x32xf32, #tpu.memory_space<hbm>> -> memref<128x32xf32, #tpu.memory_space<hbm>>
      %dma_start3A_9 = arith.constant 0 : i32
      %dma_start3A_10 = tpu.memref_slice %arg4[%mul3A_2, %dma_start3A_9] : memref<4096x32xf32, #tpu.memory_space<hbm>> -> memref<128x32xf32, #tpu.memory_space<hbm>>
      tpu.enqueue_dma source(%arg6 : memref<128x32xf32, #tpu.memory_space<vmem>>) target(%dma_start3A_10 : memref<128x32xf32, #tpu.memory_space<hbm>>) target_semaphore(%run_scoped3A : memref<!tpu.dma_semaphore, #tpu.memory_space<semaphore_mem>>)
      %dma_wait3A_11 = arith.constant 0 : i32
      %dma_wait3A_12 = tpu.memref_slice %arg4[%mul3A_2, %dma_wait3A_11] : memref<4096x32xf32, #tpu.memory_space<hbm>> -> memref<128x32xf32, #tpu.memory_space<hbm>>
      %dma_wait3A_13 = arith.constant 0 : i32
      %dma_wait3A_14 = tpu.memref_slice %arg4[%mul3A_2, %dma_wait3A_13] : memref<4096x32xf32, #tpu.memory_space<hbm>> -> memref<128x32xf32, #tpu.memory_space<hbm>>
      tpu.wait_dma2 semaphore(%run_scoped3A : memref<!tpu.dma_semaphore, #tpu.memory_space<semaphore_mem>>) src(%arg6 : memref<128x32xf32, #tpu.memory_space<vmem>>) dst(%dma_wait3A_14 : memref<128x32xf32, #tpu.memory_space<hbm>>)
      tpu.yield
    }) : () -> ()
    return
  }
}

module attributes {stable_mosaic.version = 14 : i64} {
  func.func @_vq_kernel(%arg0: i32, %arg1: i32, %arg2: memref<1x256x32xf32, #tpu.memory_space<vmem>>, %arg3: memref<1x256x1xf32, #tpu.memory_space<vmem>>, %arg4: memref<1x1x8192xf32, #tpu.memory_space<vmem>>, %arg5: memref<1x8192x32xf32, #tpu.memory_space<vmem>>, %arg6: memref<1x256x1xi32, #tpu.memory_space<vmem>>, %arg7: memref<1x1xf32, #tpu.memory_space<vmem>>, %arg8: memref<1x1x8192xf32, #tpu.memory_space<vmem>>, %arg9: memref<1x1xf32, #tpu.memory_space<vmem>>) attributes {dimension_semantics = [#tpu.dimension_semantics<arbitrary>, #tpu.dimension_semantics<arbitrary>], iteration_bounds = array<i64: 2, 8>, scalar_prefetch = 0 : i64, scratch_operands = 0 : i64, tpu.core_type = #tpu.core_type<tc>, window_params = [{transform_indices = @transform_0, window_bounds = array<i64: 1, 256, 32>}, {transform_indices = @transform_1, window_bounds = array<i64: 1, 256, 1>}, {transform_indices = @transform_2, window_bounds = array<i64: 1, 1, 8192>}, {transform_indices = @transform_3, window_bounds = array<i64: 1, 8192, 32>}, {transform_indices = @transform_4, window_bounds = array<i64: 1, 256, 1>}, {pipeline_mode = #tpu.pipeline_mode<synchronous>, transform_indices = @transform_5, window_bounds = array<i64: 1, 1>}, {transform_indices = @transform_6, window_bounds = array<i64: 1, 1, 8192>}, {pipeline_mode = #tpu.pipeline_mode<synchronous>, transform_indices = @transform_7, window_bounds = array<i64: 1, 1>}]} {
    %get3A = arith.constant 0 : index
    %get3A_0 = arith.constant 0 : index
    %get3A_1 = arith.constant 0 : index
    %get3A_2 = vector.load %arg2[%get3A, %get3A_0, %get3A_1] : memref<1x256x32xf32, #tpu.memory_space<vmem>>, vector<1x256x32xf32>
    %get3A_3 = vector.shape_cast %get3A_2 : vector<1x256x32xf32> to vector<256x32xf32>
    %get3A_4 = arith.constant 0 : index
    %get3A_5 = arith.constant 0 : index
    %get3A_6 = arith.constant 0 : index
    %get3A_7 = vector.load %arg3[%get3A_4, %get3A_5, %get3A_6] : memref<1x256x1xf32, #tpu.memory_space<vmem>>, vector<1x256x1xf32>
    %get3A_8 = vector.shape_cast %get3A_7 : vector<1x256x1xf32> to vector<256x1xf32>
    %get3A_9 = arith.constant 0 : index
    %get3A_10 = arith.constant 0 : index
    %get3A_11 = arith.constant 0 : index
    %get3A_12 = vector.load %arg4[%get3A_9, %get3A_10, %get3A_11] : memref<1x1x8192xf32, #tpu.memory_space<vmem>>, vector<1x1x8192xf32>
    %get3A_13 = vector.shape_cast %get3A_12 : vector<1x1x8192xf32> to vector<1x8192xf32>
    %get3A_14 = arith.constant 0 : index
    %get3A_15 = arith.constant 0 : index
    %get3A_16 = arith.constant 0 : index
    %get3A_17 = vector.load %arg5[%get3A_14, %get3A_15, %get3A_16] : memref<1x8192x32xf32, #tpu.memory_space<vmem>>, vector<1x8192x32xf32>
    %get3A_18 = vector.shape_cast %get3A_17 : vector<1x8192x32xf32> to vector<8192x32xf32>
    %dot_general3A = arith.constant dense<0.000000e+00> : vector<256x8192xf32>
    %dot_general3A_19 = tpu.matmul %get3A_3, %get3A_18, %dot_general3A {dimension_numbers = #tpu.dot_dimension_numbers<[1], [1], [0], [0], [0, 0, 1, 0], [], []>, transpose_lhs_hint = false} : vector<256x32xf32>, vector<8192x32xf32>, vector<256x8192xf32> -> vector<256x8192xf32>
    %mul3A = arith.constant 2.000000e+00 : f32
    %mul3A_20 = vector.broadcast %mul3A : f32 to vector<256x8192xf32>
    %mul3A_21 = arith.mulf %mul3A_20, %dot_general3A_19 : vector<256x8192xf32>
    %add3A = vector.broadcast %get3A_13 : vector<1x8192xf32> to vector<256x8192xf32>
    %add3A_22 = vector.broadcast %get3A_8 : vector<256x1xf32> to vector<256x8192xf32>
    %add3A_23 = arith.addf %add3A, %add3A_22 : vector<256x8192xf32>
    %sub3A = arith.subf %mul3A_21, %add3A_23 : vector<256x8192xf32>
    %reduce_max3A = arith.constant dense<0xFF800000> : vector<256xf32>
    %reduce_max3A_24 = vector.multi_reduction <maximumf>, %sub3A, %reduce_max3A [1] : vector<256x8192xf32> to vector<256xf32>
    %broadcast_in_dim3A = vector.shape_cast %reduce_max3A_24 : vector<256xf32> to vector<256x1xf32>
    %sub3A_25 = vector.broadcast %broadcast_in_dim3A : vector<256x1xf32> to vector<256x8192xf32>
    %sub3A_26 = arith.subf %sub3A, %sub3A_25 : vector<256x8192xf32>
    %exp3A = math.exp %sub3A_26 : vector<256x8192xf32>
    %slice3A = vector.extract_strided_slice %exp3A {offsets = [0, 0], sizes = [256, 128], strides = [1, 1]} : vector<256x8192xf32> to vector<256x128xf32>
    %slice3A_27 = vector.extract_strided_slice %exp3A {offsets = [0, 128], sizes = [256, 128], strides = [1, 1]} : vector<256x8192xf32> to vector<256x128xf32>
    %add3A_28 = arith.addf %slice3A, %slice3A_27 : vector<256x128xf32>
    %slice3A_29 = vector.extract_strided_slice %exp3A {offsets = [0, 256], sizes = [256, 128], strides = [1, 1]} : vector<256x8192xf32> to vector<256x128xf32>
    %add3A_30 = arith.addf %add3A_28, %slice3A_29 : vector<256x128xf32>
    %slice3A_31 = vector.extract_strided_slice %exp3A {offsets = [0, 384], sizes = [256, 128], strides = [1, 1]} : vector<256x8192xf32> to vector<256x128xf32>
    %add3A_32 = arith.addf %add3A_30, %slice3A_31 : vector<256x128xf32>
    %slice3A_33 = vector.extract_strided_slice %exp3A {offsets = [0, 512], sizes = [256, 128], strides = [1, 1]} : vector<256x8192xf32> to vector<256x128xf32>
    %add3A_34 = arith.addf %add3A_32, %slice3A_33 : vector<256x128xf32>
    %slice3A_35 = vector.extract_strided_slice %exp3A {offsets = [0, 640], sizes = [256, 128], strides = [1, 1]} : vector<256x8192xf32> to vector<256x128xf32>
    %add3A_36 = arith.addf %add3A_34, %slice3A_35 : vector<256x128xf32>
    %slice3A_37 = vector.extract_strided_slice %exp3A {offsets = [0, 768], sizes = [256, 128], strides = [1, 1]} : vector<256x8192xf32> to vector<256x128xf32>
    %add3A_38 = arith.addf %add3A_36, %slice3A_37 : vector<256x128xf32>
    %slice3A_39 = vector.extract_strided_slice %exp3A {offsets = [0, 896], sizes = [256, 128], strides = [1, 1]} : vector<256x8192xf32> to vector<256x128xf32>
    %add3A_40 = arith.addf %add3A_38, %slice3A_39 : vector<256x128xf32>
    %slice3A_41 = vector.extract_strided_slice %exp3A {offsets = [0, 1024], sizes = [256, 128], strides = [1, 1]} : vector<256x8192xf32> to vector<256x128xf32>
    %add3A_42 = arith.addf %add3A_40, %slice3A_41 : vector<256x128xf32>
    %slice3A_43 = vector.extract_strided_slice %exp3A {offsets = [0, 1152], sizes = [256, 128], strides = [1, 1]} : vector<256x8192xf32> to vector<256x128xf32>
    %add3A_44 = arith.addf %add3A_42, %slice3A_43 : vector<256x128xf32>
    %slice3A_45 = vector.extract_strided_slice %exp3A {offsets = [0, 1280], sizes = [256, 128], strides = [1, 1]} : vector<256x8192xf32> to vector<256x128xf32>
    %add3A_46 = arith.addf %add3A_44, %slice3A_45 : vector<256x128xf32>
    %slice3A_47 = vector.extract_strided_slice %exp3A {offsets = [0, 1408], sizes = [256, 128], strides = [1, 1]} : vector<256x8192xf32> to vector<256x128xf32>
    %add3A_48 = arith.addf %add3A_46, %slice3A_47 : vector<256x128xf32>
    %slice3A_49 = vector.extract_strided_slice %exp3A {offsets = [0, 1536], sizes = [256, 128], strides = [1, 1]} : vector<256x8192xf32> to vector<256x128xf32>
    %add3A_50 = arith.addf %add3A_48, %slice3A_49 : vector<256x128xf32>
    %slice3A_51 = vector.extract_strided_slice %exp3A {offsets = [0, 1664], sizes = [256, 128], strides = [1, 1]} : vector<256x8192xf32> to vector<256x128xf32>
    %add3A_52 = arith.addf %add3A_50, %slice3A_51 : vector<256x128xf32>
    %slice3A_53 = vector.extract_strided_slice %exp3A {offsets = [0, 1792], sizes = [256, 128], strides = [1, 1]} : vector<256x8192xf32> to vector<256x128xf32>
    %add3A_54 = arith.addf %add3A_52, %slice3A_53 : vector<256x128xf32>
    %slice3A_55 = vector.extract_strided_slice %exp3A {offsets = [0, 1920], sizes = [256, 128], strides = [1, 1]} : vector<256x8192xf32> to vector<256x128xf32>
    %add3A_56 = arith.addf %add3A_54, %slice3A_55 : vector<256x128xf32>
    %slice3A_57 = vector.extract_strided_slice %exp3A {offsets = [0, 2048], sizes = [256, 128], strides = [1, 1]} : vector<256x8192xf32> to vector<256x128xf32>
    %add3A_58 = arith.addf %add3A_56, %slice3A_57 : vector<256x128xf32>
    %slice3A_59 = vector.extract_strided_slice %exp3A {offsets = [0, 2176], sizes = [256, 128], strides = [1, 1]} : vector<256x8192xf32> to vector<256x128xf32>
    %add3A_60 = arith.addf %add3A_58, %slice3A_59 : vector<256x128xf32>
    %slice3A_61 = vector.extract_strided_slice %exp3A {offsets = [0, 2304], sizes = [256, 128], strides = [1, 1]} : vector<256x8192xf32> to vector<256x128xf32>
    %add3A_62 = arith.addf %add3A_60, %slice3A_61 : vector<256x128xf32>
    %slice3A_63 = vector.extract_strided_slice %exp3A {offsets = [0, 2432], sizes = [256, 128], strides = [1, 1]} : vector<256x8192xf32> to vector<256x128xf32>
    %add3A_64 = arith.addf %add3A_62, %slice3A_63 : vector<256x128xf32>
    %slice3A_65 = vector.extract_strided_slice %exp3A {offsets = [0, 2560], sizes = [256, 128], strides = [1, 1]} : vector<256x8192xf32> to vector<256x128xf32>
    %add3A_66 = arith.addf %add3A_64, %slice3A_65 : vector<256x128xf32>
    %slice3A_67 = vector.extract_strided_slice %exp3A {offsets = [0, 2688], sizes = [256, 128], strides = [1, 1]} : vector<256x8192xf32> to vector<256x128xf32>
    %add3A_68 = arith.addf %add3A_66, %slice3A_67 : vector<256x128xf32>
    %slice3A_69 = vector.extract_strided_slice %exp3A {offsets = [0, 2816], sizes = [256, 128], strides = [1, 1]} : vector<256x8192xf32> to vector<256x128xf32>
    %add3A_70 = arith.addf %add3A_68, %slice3A_69 : vector<256x128xf32>
    %slice3A_71 = vector.extract_strided_slice %exp3A {offsets = [0, 2944], sizes = [256, 128], strides = [1, 1]} : vector<256x8192xf32> to vector<256x128xf32>
    %add3A_72 = arith.addf %add3A_70, %slice3A_71 : vector<256x128xf32>
    %slice3A_73 = vector.extract_strided_slice %exp3A {offsets = [0, 3072], sizes = [256, 128], strides = [1, 1]} : vector<256x8192xf32> to vector<256x128xf32>
    %add3A_74 = arith.addf %add3A_72, %slice3A_73 : vector<256x128xf32>
    %slice3A_75 = vector.extract_strided_slice %exp3A {offsets = [0, 3200], sizes = [256, 128], strides = [1, 1]} : vector<256x8192xf32> to vector<256x128xf32>
    %add3A_76 = arith.addf %add3A_74, %slice3A_75 : vector<256x128xf32>
    %slice3A_77 = vector.extract_strided_slice %exp3A {offsets = [0, 3328], sizes = [256, 128], strides = [1, 1]} : vector<256x8192xf32> to vector<256x128xf32>
    %add3A_78 = arith.addf %add3A_76, %slice3A_77 : vector<256x128xf32>
    %slice3A_79 = vector.extract_strided_slice %exp3A {offsets = [0, 3456], sizes = [256, 128], strides = [1, 1]} : vector<256x8192xf32> to vector<256x128xf32>
    %add3A_80 = arith.addf %add3A_78, %slice3A_79 : vector<256x128xf32>
    %slice3A_81 = vector.extract_strided_slice %exp3A {offsets = [0, 3584], sizes = [256, 128], strides = [1, 1]} : vector<256x8192xf32> to vector<256x128xf32>
    %add3A_82 = arith.addf %add3A_80, %slice3A_81 : vector<256x128xf32>
    %slice3A_83 = vector.extract_strided_slice %exp3A {offsets = [0, 3712], sizes = [256, 128], strides = [1, 1]} : vector<256x8192xf32> to vector<256x128xf32>
    %add3A_84 = arith.addf %add3A_82, %slice3A_83 : vector<256x128xf32>
    %slice3A_85 = vector.extract_strided_slice %exp3A {offsets = [0, 3840], sizes = [256, 128], strides = [1, 1]} : vector<256x8192xf32> to vector<256x128xf32>
    %add3A_86 = arith.addf %add3A_84, %slice3A_85 : vector<256x128xf32>
    %slice3A_87 = vector.extract_strided_slice %exp3A {offsets = [0, 3968], sizes = [256, 128], strides = [1, 1]} : vector<256x8192xf32> to vector<256x128xf32>
    %add3A_88 = arith.addf %add3A_86, %slice3A_87 : vector<256x128xf32>
    %slice3A_89 = vector.extract_strided_slice %exp3A {offsets = [0, 4096], sizes = [256, 128], strides = [1, 1]} : vector<256x8192xf32> to vector<256x128xf32>
    %add3A_90 = arith.addf %add3A_88, %slice3A_89 : vector<256x128xf32>
    %slice3A_91 = vector.extract_strided_slice %exp3A {offsets = [0, 4224], sizes = [256, 128], strides = [1, 1]} : vector<256x8192xf32> to vector<256x128xf32>
    %add3A_92 = arith.addf %add3A_90, %slice3A_91 : vector<256x128xf32>
    %slice3A_93 = vector.extract_strided_slice %exp3A {offsets = [0, 4352], sizes = [256, 128], strides = [1, 1]} : vector<256x8192xf32> to vector<256x128xf32>
    %add3A_94 = arith.addf %add3A_92, %slice3A_93 : vector<256x128xf32>
    %slice3A_95 = vector.extract_strided_slice %exp3A {offsets = [0, 4480], sizes = [256, 128], strides = [1, 1]} : vector<256x8192xf32> to vector<256x128xf32>
    %add3A_96 = arith.addf %add3A_94, %slice3A_95 : vector<256x128xf32>
    %slice3A_97 = vector.extract_strided_slice %exp3A {offsets = [0, 4608], sizes = [256, 128], strides = [1, 1]} : vector<256x8192xf32> to vector<256x128xf32>
    %add3A_98 = arith.addf %add3A_96, %slice3A_97 : vector<256x128xf32>
    %slice3A_99 = vector.extract_strided_slice %exp3A {offsets = [0, 4736], sizes = [256, 128], strides = [1, 1]} : vector<256x8192xf32> to vector<256x128xf32>
    %add3A_100 = arith.addf %add3A_98, %slice3A_99 : vector<256x128xf32>
    %slice3A_101 = vector.extract_strided_slice %exp3A {offsets = [0, 4864], sizes = [256, 128], strides = [1, 1]} : vector<256x8192xf32> to vector<256x128xf32>
    %add3A_102 = arith.addf %add3A_100, %slice3A_101 : vector<256x128xf32>
    %slice3A_103 = vector.extract_strided_slice %exp3A {offsets = [0, 4992], sizes = [256, 128], strides = [1, 1]} : vector<256x8192xf32> to vector<256x128xf32>
    %add3A_104 = arith.addf %add3A_102, %slice3A_103 : vector<256x128xf32>
    %slice3A_105 = vector.extract_strided_slice %exp3A {offsets = [0, 5120], sizes = [256, 128], strides = [1, 1]} : vector<256x8192xf32> to vector<256x128xf32>
    %add3A_106 = arith.addf %add3A_104, %slice3A_105 : vector<256x128xf32>
    %slice3A_107 = vector.extract_strided_slice %exp3A {offsets = [0, 5248], sizes = [256, 128], strides = [1, 1]} : vector<256x8192xf32> to vector<256x128xf32>
    %add3A_108 = arith.addf %add3A_106, %slice3A_107 : vector<256x128xf32>
    %slice3A_109 = vector.extract_strided_slice %exp3A {offsets = [0, 5376], sizes = [256, 128], strides = [1, 1]} : vector<256x8192xf32> to vector<256x128xf32>
    %add3A_110 = arith.addf %add3A_108, %slice3A_109 : vector<256x128xf32>
    %slice3A_111 = vector.extract_strided_slice %exp3A {offsets = [0, 5504], sizes = [256, 128], strides = [1, 1]} : vector<256x8192xf32> to vector<256x128xf32>
    %add3A_112 = arith.addf %add3A_110, %slice3A_111 : vector<256x128xf32>
    %slice3A_113 = vector.extract_strided_slice %exp3A {offsets = [0, 5632], sizes = [256, 128], strides = [1, 1]} : vector<256x8192xf32> to vector<256x128xf32>
    %add3A_114 = arith.addf %add3A_112, %slice3A_113 : vector<256x128xf32>
    %slice3A_115 = vector.extract_strided_slice %exp3A {offsets = [0, 5760], sizes = [256, 128], strides = [1, 1]} : vector<256x8192xf32> to vector<256x128xf32>
    %add3A_116 = arith.addf %add3A_114, %slice3A_115 : vector<256x128xf32>
    %slice3A_117 = vector.extract_strided_slice %exp3A {offsets = [0, 5888], sizes = [256, 128], strides = [1, 1]} : vector<256x8192xf32> to vector<256x128xf32>
    %add3A_118 = arith.addf %add3A_116, %slice3A_117 : vector<256x128xf32>
    %slice3A_119 = vector.extract_strided_slice %exp3A {offsets = [0, 6016], sizes = [256, 128], strides = [1, 1]} : vector<256x8192xf32> to vector<256x128xf32>
    %add3A_120 = arith.addf %add3A_118, %slice3A_119 : vector<256x128xf32>
    %slice3A_121 = vector.extract_strided_slice %exp3A {offsets = [0, 6144], sizes = [256, 128], strides = [1, 1]} : vector<256x8192xf32> to vector<256x128xf32>
    %add3A_122 = arith.addf %add3A_120, %slice3A_121 : vector<256x128xf32>
    %slice3A_123 = vector.extract_strided_slice %exp3A {offsets = [0, 6272], sizes = [256, 128], strides = [1, 1]} : vector<256x8192xf32> to vector<256x128xf32>
    %add3A_124 = arith.addf %add3A_122, %slice3A_123 : vector<256x128xf32>
    %slice3A_125 = vector.extract_strided_slice %exp3A {offsets = [0, 6400], sizes = [256, 128], strides = [1, 1]} : vector<256x8192xf32> to vector<256x128xf32>
    %add3A_126 = arith.addf %add3A_124, %slice3A_125 : vector<256x128xf32>
    %slice3A_127 = vector.extract_strided_slice %exp3A {offsets = [0, 6528], sizes = [256, 128], strides = [1, 1]} : vector<256x8192xf32> to vector<256x128xf32>
    %add3A_128 = arith.addf %add3A_126, %slice3A_127 : vector<256x128xf32>
    %slice3A_129 = vector.extract_strided_slice %exp3A {offsets = [0, 6656], sizes = [256, 128], strides = [1, 1]} : vector<256x8192xf32> to vector<256x128xf32>
    %add3A_130 = arith.addf %add3A_128, %slice3A_129 : vector<256x128xf32>
    %slice3A_131 = vector.extract_strided_slice %exp3A {offsets = [0, 6784], sizes = [256, 128], strides = [1, 1]} : vector<256x8192xf32> to vector<256x128xf32>
    %add3A_132 = arith.addf %add3A_130, %slice3A_131 : vector<256x128xf32>
    %slice3A_133 = vector.extract_strided_slice %exp3A {offsets = [0, 6912], sizes = [256, 128], strides = [1, 1]} : vector<256x8192xf32> to vector<256x128xf32>
    %add3A_134 = arith.addf %add3A_132, %slice3A_133 : vector<256x128xf32>
    %slice3A_135 = vector.extract_strided_slice %exp3A {offsets = [0, 7040], sizes = [256, 128], strides = [1, 1]} : vector<256x8192xf32> to vector<256x128xf32>
    %add3A_136 = arith.addf %add3A_134, %slice3A_135 : vector<256x128xf32>
    %slice3A_137 = vector.extract_strided_slice %exp3A {offsets = [0, 7168], sizes = [256, 128], strides = [1, 1]} : vector<256x8192xf32> to vector<256x128xf32>
    %add3A_138 = arith.addf %add3A_136, %slice3A_137 : vector<256x128xf32>
    %slice3A_139 = vector.extract_strided_slice %exp3A {offsets = [0, 7296], sizes = [256, 128], strides = [1, 1]} : vector<256x8192xf32> to vector<256x128xf32>
    %add3A_140 = arith.addf %add3A_138, %slice3A_139 : vector<256x128xf32>
    %slice3A_141 = vector.extract_strided_slice %exp3A {offsets = [0, 7424], sizes = [256, 128], strides = [1, 1]} : vector<256x8192xf32> to vector<256x128xf32>
    %add3A_142 = arith.addf %add3A_140, %slice3A_141 : vector<256x128xf32>
    %slice3A_143 = vector.extract_strided_slice %exp3A {offsets = [0, 7552], sizes = [256, 128], strides = [1, 1]} : vector<256x8192xf32> to vector<256x128xf32>
    %add3A_144 = arith.addf %add3A_142, %slice3A_143 : vector<256x128xf32>
    %slice3A_145 = vector.extract_strided_slice %exp3A {offsets = [0, 7680], sizes = [256, 128], strides = [1, 1]} : vector<256x8192xf32> to vector<256x128xf32>
    %add3A_146 = arith.addf %add3A_144, %slice3A_145 : vector<256x128xf32>
    %slice3A_147 = vector.extract_strided_slice %exp3A {offsets = [0, 7808], sizes = [256, 128], strides = [1, 1]} : vector<256x8192xf32> to vector<256x128xf32>
    %add3A_148 = arith.addf %add3A_146, %slice3A_147 : vector<256x128xf32>
    %slice3A_149 = vector.extract_strided_slice %exp3A {offsets = [0, 7936], sizes = [256, 128], strides = [1, 1]} : vector<256x8192xf32> to vector<256x128xf32>
    %add3A_150 = arith.addf %add3A_148, %slice3A_149 : vector<256x128xf32>
    %slice3A_151 = vector.extract_strided_slice %exp3A {offsets = [0, 8064], sizes = [256, 128], strides = [1, 1]} : vector<256x8192xf32> to vector<256x128xf32>
    %add3A_152 = arith.addf %add3A_150, %slice3A_151 : vector<256x128xf32>
    %slice3A_153 = vector.extract_strided_slice %add3A_152 {offsets = [0, 0], sizes = [256, 8], strides = [1, 1]} : vector<256x128xf32> to vector<256x8xf32>
    %slice3A_154 = vector.extract_strided_slice %add3A_152 {offsets = [0, 8], sizes = [256, 8], strides = [1, 1]} : vector<256x128xf32> to vector<256x8xf32>
    %add3A_155 = arith.addf %slice3A_153, %slice3A_154 : vector<256x8xf32>
    %slice3A_156 = vector.extract_strided_slice %add3A_152 {offsets = [0, 16], sizes = [256, 8], strides = [1, 1]} : vector<256x128xf32> to vector<256x8xf32>
    %add3A_157 = arith.addf %add3A_155, %slice3A_156 : vector<256x8xf32>
    %slice3A_158 = vector.extract_strided_slice %add3A_152 {offsets = [0, 24], sizes = [256, 8], strides = [1, 1]} : vector<256x128xf32> to vector<256x8xf32>
    %add3A_159 = arith.addf %add3A_157, %slice3A_158 : vector<256x8xf32>
    %slice3A_160 = vector.extract_strided_slice %add3A_152 {offsets = [0, 32], sizes = [256, 8], strides = [1, 1]} : vector<256x128xf32> to vector<256x8xf32>
    %add3A_161 = arith.addf %add3A_159, %slice3A_160 : vector<256x8xf32>
    %slice3A_162 = vector.extract_strided_slice %add3A_152 {offsets = [0, 40], sizes = [256, 8], strides = [1, 1]} : vector<256x128xf32> to vector<256x8xf32>
    %add3A_163 = arith.addf %add3A_161, %slice3A_162 : vector<256x8xf32>
    %slice3A_164 = vector.extract_strided_slice %add3A_152 {offsets = [0, 48], sizes = [256, 8], strides = [1, 1]} : vector<256x128xf32> to vector<256x8xf32>
    %add3A_165 = arith.addf %add3A_163, %slice3A_164 : vector<256x8xf32>
    %slice3A_166 = vector.extract_strided_slice %add3A_152 {offsets = [0, 56], sizes = [256, 8], strides = [1, 1]} : vector<256x128xf32> to vector<256x8xf32>
    %add3A_167 = arith.addf %add3A_165, %slice3A_166 : vector<256x8xf32>
    %slice3A_168 = vector.extract_strided_slice %add3A_152 {offsets = [0, 64], sizes = [256, 8], strides = [1, 1]} : vector<256x128xf32> to vector<256x8xf32>
    %add3A_169 = arith.addf %add3A_167, %slice3A_168 : vector<256x8xf32>
    %slice3A_170 = vector.extract_strided_slice %add3A_152 {offsets = [0, 72], sizes = [256, 8], strides = [1, 1]} : vector<256x128xf32> to vector<256x8xf32>
    %add3A_171 = arith.addf %add3A_169, %slice3A_170 : vector<256x8xf32>
    %slice3A_172 = vector.extract_strided_slice %add3A_152 {offsets = [0, 80], sizes = [256, 8], strides = [1, 1]} : vector<256x128xf32> to vector<256x8xf32>
    %add3A_173 = arith.addf %add3A_171, %slice3A_172 : vector<256x8xf32>
    %slice3A_174 = vector.extract_strided_slice %add3A_152 {offsets = [0, 88], sizes = [256, 8], strides = [1, 1]} : vector<256x128xf32> to vector<256x8xf32>
    %add3A_175 = arith.addf %add3A_173, %slice3A_174 : vector<256x8xf32>
    %slice3A_176 = vector.extract_strided_slice %add3A_152 {offsets = [0, 96], sizes = [256, 8], strides = [1, 1]} : vector<256x128xf32> to vector<256x8xf32>
    %add3A_177 = arith.addf %add3A_175, %slice3A_176 : vector<256x8xf32>
    %slice3A_178 = vector.extract_strided_slice %add3A_152 {offsets = [0, 104], sizes = [256, 8], strides = [1, 1]} : vector<256x128xf32> to vector<256x8xf32>
    %add3A_179 = arith.addf %add3A_177, %slice3A_178 : vector<256x8xf32>
    %slice3A_180 = vector.extract_strided_slice %add3A_152 {offsets = [0, 112], sizes = [256, 8], strides = [1, 1]} : vector<256x128xf32> to vector<256x8xf32>
    %add3A_181 = arith.addf %add3A_179, %slice3A_180 : vector<256x8xf32>
    %slice3A_182 = vector.extract_strided_slice %add3A_152 {offsets = [0, 120], sizes = [256, 8], strides = [1, 1]} : vector<256x128xf32> to vector<256x8xf32>
    %add3A_183 = arith.addf %add3A_181, %slice3A_182 : vector<256x8xf32>
    %slice3A_184 = vector.extract_strided_slice %add3A_183 {offsets = [0, 0], sizes = [256, 4], strides = [1, 1]} : vector<256x8xf32> to vector<256x4xf32>
    %slice3A_185 = vector.extract_strided_slice %add3A_183 {offsets = [0, 4], sizes = [256, 4], strides = [1, 1]} : vector<256x8xf32> to vector<256x4xf32>
    %add3A_186 = arith.addf %slice3A_184, %slice3A_185 : vector<256x4xf32>
    %slice3A_187 = vector.extract_strided_slice %add3A_186 {offsets = [0, 0], sizes = [256, 2], strides = [1, 1]} : vector<256x4xf32> to vector<256x2xf32>
    %slice3A_188 = vector.extract_strided_slice %add3A_186 {offsets = [0, 2], sizes = [256, 2], strides = [1, 1]} : vector<256x4xf32> to vector<256x2xf32>
    %add3A_189 = arith.addf %slice3A_187, %slice3A_188 : vector<256x2xf32>
    %slice3A_190 = vector.extract_strided_slice %add3A_189 {offsets = [0, 0], sizes = [256, 1], strides = [1, 1]} : vector<256x2xf32> to vector<256x1xf32>
    %slice3A_191 = vector.extract_strided_slice %add3A_189 {offsets = [0, 1], sizes = [256, 1], strides = [1, 1]} : vector<256x2xf32> to vector<256x1xf32>
    %add3A_192 = arith.addf %slice3A_190, %slice3A_191 : vector<256x1xf32>
    %div3A = vector.broadcast %add3A_192 : vector<256x1xf32> to vector<256x8192xf32>
    %div3A_193 = arith.divf %exp3A, %div3A : vector<256x8192xf32>
    %log3A = math.log %add3A_192 : vector<256x1xf32>
    %sub3A_194 = vector.broadcast %log3A : vector<256x1xf32> to vector<256x8192xf32>
    %sub3A_195 = arith.subf %sub3A_26, %sub3A_194 : vector<256x8192xf32>
    %reduce_max3A_196 = arith.constant dense<0xFF800000> : vector<256xf32>
    %reduce_max3A_197 = vector.multi_reduction <maximumf>, %div3A_193, %reduce_max3A_196 [1] : vector<256x8192xf32> to vector<256xf32>
    %broadcast_in_dim3A_198 = vector.shape_cast %reduce_max3A_197 : vector<256xf32> to vector<256x1xf32>
    %iota3A = tpu.iota {dimensions = array<i32: 1>} : vector<256x8192xi32>
    %eq3A = vector.broadcast %broadcast_in_dim3A_198 : vector<256x1xf32> to vector<256x8192xf32>
    %eq3A_199 = arith.cmpf oeq, %div3A_193, %eq3A : vector<256x8192xf32>
    %jit3A = arith.constant 8192 : i32
    %broadcast_in_dim3A_200 = vector.broadcast %jit3A : i32 to vector<256x8192xi32>
    %select_n3A = arith.select %eq3A_199, %iota3A, %broadcast_in_dim3A_200 : vector<256x8192xi1>, vector<256x8192xi32>
    %reduce_min3A = arith.constant dense<2147483647> : vector<256xi32>
    %reduce_min3A_201 = vector.multi_reduction <minsi>, %select_n3A, %reduce_min3A [1] : vector<256x8192xi32> to vector<256xi32>
    %broadcast_in_dim3A_202 = vector.shape_cast %reduce_min3A_201 : vector<256xi32> to vector<256x1xi32>
    %eq3A_203 = vector.broadcast %broadcast_in_dim3A_202 : vector<256x1xi32> to vector<256x8192xi32>
    %eq3A_204 = arith.cmpi eq, %iota3A, %eq3A_203 : vector<256x8192xi32>
    %convert_element_type3A = arith.extui %eq3A_204 : vector<256x8192xi1> to vector<256x8192xi32>
    %convert_element_type3A_205 = arith.sitofp %convert_element_type3A : vector<256x8192xi32> to vector<256x8192xf32>
    %mul3A_206 = arith.constant 8192 : i32
    %mul3A_207 = arith.muli %arg0, %mul3A_206 : i32
    %add3A_208 = vector.broadcast %mul3A_207 : i32 to vector<256x1xi32>
    %add3A_209 = arith.addi %broadcast_in_dim3A_202, %add3A_208 : vector<256x1xi32>
    %swap3A = arith.constant 0 : index
    %swap3A_210 = arith.constant 0 : index
    %swap3A_211 = arith.constant 0 : index
    %swap3A_212 = vector.load %arg6[%swap3A, %swap3A_210, %swap3A_211] : memref<1x256x1xi32, #tpu.memory_space<vmem>>, vector<1x256x1xi32>
    %swap3A_213 = vector.shape_cast %swap3A_212 : vector<1x256x1xi32> to vector<256x1xi32>
    %swap3A_214 = vector.shape_cast %add3A_209 : vector<256x1xi32> to vector<1x256x1xi32>
    tpu.vector_store %arg6[%swap3A, %swap3A_210, %swap3A_211], %swap3A_214 {strides = array<i32>} : memref<1x256x1xi32, #tpu.memory_space<vmem>>, vector<1x256x1xi32>,
    %add3A_215 = arith.constant 9.01091289 : f32
    %add3A_216 = vector.broadcast %add3A_215 : f32 to vector<256x8192xf32>
    %add3A_217 = arith.addf %sub3A_195, %add3A_216 : vector<256x8192xf32>
    %mul3A_218 = arith.mulf %div3A_193, %add3A_217 : vector<256x8192xf32>
    %reduce_sum3A = vector.shape_cast %mul3A_218 : vector<256x8192xf32> to vector<1x256x8192xf32>
    %reduce_sum3A_219 = arith.constant dense<0.000000e+00> : vector<1xf32>
    %reduce_sum3A_220 = vector.multi_reduction <add>, %reduce_sum3A, %reduce_sum3A_219 [1, 2] : vector<1x256x8192xf32> to vector<1xf32>
    %reduce_sum3A_221 = vector.shape_cast %reduce_sum3A_220 : vector<1xf32> to vector<1x1x1xf32>
    %reduce_sum3A_222 = vector.extract %reduce_sum3A_221[0, 0, 0] : f32 from vector<1x1x1xf32>
    %broadcast_in_dim3A_223 = vector.broadcast %reduce_sum3A_222 : f32 to vector<1x1xf32>
    %eq3A_224 = arith.constant 0 : i32
    %eq3A_225 = arith.cmpi eq, %arg0, %eq3A_224 : i32
    %eq3A_226 = arith.constant 0 : i32
    %eq3A_227 = arith.cmpi eq, %arg1, %eq3A_226 : i32
    %and3A = arith.andi %eq3A_225, %eq3A_227 : i1
    %convert_element_type3A_228 = arith.extui %and3A : i1 to i32
    %cond3A = arith.constant 0 : i32
    %cond3A_229 = arith.cmpi ne, %convert_element_type3A_228, %cond3A : i32
    scf.if %cond3A_229 {
      %broadcast_in_dim3A_262 = arith.constant 0.000000e+00 : f32
      %broadcast_in_dim3A_263 = vector.broadcast %broadcast_in_dim3A_262 : f32 to vector<1x1xf32>
      %swap3A_264 = arith.constant 0 : index
      %swap3A_265 = arith.constant 0 : index
      %swap3A_266 = vector.load %arg7[%swap3A_264, %swap3A_265] : memref<1x1xf32, #tpu.memory_space<vmem>>, vector<1x1xf32>
      tpu.vector_store %arg7[%swap3A_264, %swap3A_265], %broadcast_in_dim3A_263 {strides = array<i32>} : memref<1x1xf32, #tpu.memory_space<vmem>>, vector<1x1xf32>,
      %broadcast_in_dim3A_267 = arith.constant 0.000000e+00 : f32
      %broadcast_in_dim3A_268 = vector.broadcast %broadcast_in_dim3A_267 : f32 to vector<1x1xf32>
      %swap3A_269 = arith.constant 0 : index
      %swap3A_270 = arith.constant 0 : index
      %swap3A_271 = vector.load %arg9[%swap3A_269, %swap3A_270] : memref<1x1xf32, #tpu.memory_space<vmem>>, vector<1x1xf32>
      tpu.vector_store %arg9[%swap3A_269, %swap3A_270], %broadcast_in_dim3A_268 {strides = array<i32>} : memref<1x1xf32, #tpu.memory_space<vmem>>, vector<1x1xf32>,
    } else {
    }
    %get3A_230 = arith.constant 0 : index
    %get3A_231 = arith.constant 0 : index
    %get3A_232 = vector.load %arg7[%get3A_230, %get3A_231] : memref<1x1xf32, #tpu.memory_space<vmem>>, vector<1x1xf32>
    %add3A_233 = arith.addf %get3A_232, %broadcast_in_dim3A_223 : vector<1x1xf32>
    %swap3A_234 = arith.constant 0 : index
    %swap3A_235 = arith.constant 0 : index
    %swap3A_236 = vector.load %arg7[%swap3A_234, %swap3A_235] : memref<1x1xf32, #tpu.memory_space<vmem>>, vector<1x1xf32>
    tpu.vector_store %arg7[%swap3A_234, %swap3A_235], %add3A_233 {strides = array<i32>} : memref<1x1xf32, #tpu.memory_space<vmem>>, vector<1x1xf32>,
    %eq3A_237 = arith.constant 0 : i32
    %eq3A_238 = arith.cmpi eq, %arg1, %eq3A_237 : i32
    %convert_element_type3A_239 = arith.extui %eq3A_238 : i1 to i32
    %cond3A_240 = arith.constant 0 : i32
    %cond3A_241 = arith.cmpi ne, %convert_element_type3A_239, %cond3A_240 : i32
    scf.if %cond3A_241 {
      %broadcast_in_dim3A_262 = arith.constant 0.000000e+00 : f32
      %broadcast_in_dim3A_263 = vector.broadcast %broadcast_in_dim3A_262 : f32 to vector<1x8192xf32>
      %swap3A_264 = arith.constant 0 : index
      %swap3A_265 = arith.constant 0 : index
      %swap3A_266 = arith.constant 0 : index
      %swap3A_267 = vector.load %arg8[%swap3A_264, %swap3A_265, %swap3A_266] : memref<1x1x8192xf32, #tpu.memory_space<vmem>>, vector<1x1x8192xf32>
      %swap3A_268 = vector.shape_cast %swap3A_267 : vector<1x1x8192xf32> to vector<1x8192xf32>
      %swap3A_269 = vector.shape_cast %broadcast_in_dim3A_263 : vector<1x8192xf32> to vector<1x1x8192xf32>
      tpu.vector_store %arg8[%swap3A_264, %swap3A_265, %swap3A_266], %swap3A_269 {strides = array<i32>} : memref<1x1x8192xf32, #tpu.memory_space<vmem>>, vector<1x1x8192xf32>,
    } else {
    }
    %get3A_242 = arith.constant 0 : index
    %get3A_243 = arith.constant 0 : index
    %get3A_244 = arith.constant 0 : index
    %get3A_245 = vector.load %arg8[%get3A_242, %get3A_243, %get3A_244] : memref<1x1x8192xf32, #tpu.memory_space<vmem>>, vector<1x1x8192xf32>
    %get3A_246 = vector.shape_cast %get3A_245 : vector<1x1x8192xf32> to vector<1x8192xf32>
    %reduce_sum3A_247 = arith.constant dense<0.000000e+00> : vector<8192xf32>
    %reduce_sum3A_248 = vector.multi_reduction <add>, %convert_element_type3A_205, %reduce_sum3A_247 [0] : vector<256x8192xf32> to vector<8192xf32>
    %broadcast_in_dim3A_249 = vector.shape_cast %reduce_sum3A_248 : vector<8192xf32> to vector<1x8192xf32>
    %add3A_250 = arith.addf %get3A_246, %broadcast_in_dim3A_249 : vector<1x8192xf32>
    %swap3A_251 = arith.constant 0 : index
    %swap3A_252 = arith.constant 0 : index
    %swap3A_253 = arith.constant 0 : index
    %swap3A_254 = vector.load %arg8[%swap3A_251, %swap3A_252, %swap3A_253] : memref<1x1x8192xf32, #tpu.memory_space<vmem>>, vector<1x1x8192xf32>
    %swap3A_255 = vector.shape_cast %swap3A_254 : vector<1x1x8192xf32> to vector<1x8192xf32>
    %swap3A_256 = vector.shape_cast %add3A_250 : vector<1x8192xf32> to vector<1x1x8192xf32>
    tpu.vector_store %arg8[%swap3A_251, %swap3A_252, %swap3A_253], %swap3A_256 {strides = array<i32>} : memref<1x1x8192xf32, #tpu.memory_space<vmem>>, vector<1x1x8192xf32>,
    %eq3A_257 = arith.constant 7 : i32
    %eq3A_258 = arith.cmpi eq, %arg1, %eq3A_257 : i32
    %convert_element_type3A_259 = arith.extui %eq3A_258 : i1 to i32
    %cond3A_260 = arith.constant 0 : i32
    %cond3A_261 = arith.cmpi ne, %convert_element_type3A_259, %cond3A_260 : i32
    scf.if %cond3A_261 {
      %get3A_262 = arith.constant 0 : index
      %get3A_263 = arith.constant 0 : index
      %get3A_264 = arith.constant 0 : index
      %get3A_265 = vector.load %arg8[%get3A_262, %get3A_263, %get3A_264] : memref<1x1x8192xf32, #tpu.memory_space<vmem>>, vector<1x1x8192xf32>
      %get3A_266 = vector.shape_cast %get3A_265 : vector<1x1x8192xf32> to vector<1x8192xf32>
      %mul3A_267 = arith.constant 4.8828125E-4 : f32
      %mul3A_268 = vector.broadcast %mul3A_267 : f32 to vector<1x8192xf32>
      %mul3A_269 = arith.mulf %get3A_266, %mul3A_268 : vector<1x8192xf32>
      %add3A_270 = arith.constant 1.000000e-10 : f32
      %add3A_271 = vector.broadcast %add3A_270 : f32 to vector<1x8192xf32>
      %add3A_272 = arith.addf %mul3A_269, %add3A_271 : vector<1x8192xf32>
      %log3A_273 = math.log %add3A_272 : vector<1x8192xf32>
      %mul3A_274 = arith.mulf %mul3A_269, %log3A_273 : vector<1x8192xf32>
      %reduce_sum3A_275 = arith.constant dense<0.000000e+00> : vector<1xf32>
      %reduce_sum3A_276 = vector.multi_reduction <add>, %mul3A_274, %reduce_sum3A_275 [1] : vector<1x8192xf32> to vector<1xf32>
      %broadcast_in_dim3A_277 = vector.shape_cast %reduce_sum3A_276 : vector<1xf32> to vector<1x1xf32>
      %get3A_278 = arith.constant 0 : index
      %get3A_279 = arith.constant 0 : index
      %get3A_280 = vector.load %arg9[%get3A_278, %get3A_279] : memref<1x1xf32, #tpu.memory_space<vmem>>, vector<1x1xf32>
      %neg3A = arith.constant 0.000000e+00 : f32
      %neg3A_281 = vector.broadcast %neg3A : f32 to vector<1x1xf32>
      %neg3A_282 = arith.subf %neg3A_281, %broadcast_in_dim3A_277 : vector<1x1xf32>
      %exp3A_283 = math.exp %neg3A_282 : vector<1x1xf32>
      %add3A_284 = arith.addf %get3A_280, %exp3A_283 : vector<1x1xf32>
      %swap3A_285 = arith.constant 0 : index
      %swap3A_286 = arith.constant 0 : index
      %swap3A_287 = vector.load %arg9[%swap3A_285, %swap3A_286] : memref<1x1xf32, #tpu.memory_space<vmem>>, vector<1x1xf32>
      tpu.vector_store %arg9[%swap3A_285, %swap3A_286], %add3A_284 {strides = array<i32>} : memref<1x1xf32, #tpu.memory_space<vmem>>, vector<1x1xf32>,
    } else {
    }
    return
  }
  func.func @transform_0(%arg0: i32, %arg1: i32) -> (i32, i32, i32) {
    %c0_i32 = arith.constant 0 : i32
    %c0_i32_0 = arith.constant 0 : i32
    return %arg0, %arg1, %c0_i32 : i32, i32, i32
  }
  func.func @transform_1(%arg0: i32, %arg1: i32) -> (i32, i32, i32) {
    %c0_i32 = arith.constant 0 : i32
    %c0_i32_0 = arith.constant 0 : i32
    return %arg0, %arg1, %c0_i32 : i32, i32, i32
  }
  func.func @transform_2(%arg0: i32, %arg1: i32) -> (i32, i32, i32) {
    %c0_i32 = arith.constant 0 : i32
    %c0_i32_0 = arith.constant 0 : i32
    %c0_i32_1 = arith.constant 0 : i32
    return %arg0, %c0_i32, %c0_i32_0 : i32, i32, i32
  }
  func.func @transform_3(%arg0: i32, %arg1: i32) -> (i32, i32, i32) {
    %c0_i32 = arith.constant 0 : i32
    %c0_i32_0 = arith.constant 0 : i32
    %c0_i32_1 = arith.constant 0 : i32
    return %arg0, %c0_i32, %c0_i32_0 : i32, i32, i32
  }
  func.func @transform_4(%arg0: i32, %arg1: i32) -> (i32, i32, i32) {
    %c0_i32 = arith.constant 0 : i32
    %c0_i32_0 = arith.constant 0 : i32
    return %arg0, %arg1, %c0_i32 : i32, i32, i32
  }
  func.func @transform_5(%arg0: i32, %arg1: i32) -> (i32, i32) {
    %c0_i32 = arith.constant 0 : i32
    %c0_i32_0 = arith.constant 0 : i32
    %c0_i32_1 = arith.constant 0 : i32
    return %c0_i32, %c0_i32_0 : i32, i32
  }
  func.func @transform_6(%arg0: i32, %arg1: i32) -> (i32, i32, i32) {
    %c0_i32 = arith.constant 0 : i32
    %c0_i32_0 = arith.constant 0 : i32
    %c0_i32_1 = arith.constant 0 : i32
    return %arg0, %c0_i32, %c0_i32_0 : i32, i32, i32
  }
  func.func @transform_7(%arg0: i32, %arg1: i32) -> (i32, i32) {
    %c0_i32 = arith.constant 0 : i32
    %c0_i32_0 = arith.constant 0 : i32
    %c0_i32_1 = arith.constant 0 : i32
    return %c0_i32, %c0_i32_0 : i32, i32
  }
}

</mosaic_0001>

<sc_bundles>
// kernel: kernel.4.cloned.1.call-start
scs
__scs_entry_jumppad:
0x0: {  	(pc) =	sbr.rel $0x88, $3  }
0x1: {  	(tag) =	ssettag $0x0;
	lr =	simm.s32 $0x1  }
0x2: {  	[smem:$0x3F9F] =	sst lr;
	_ =	strace $0xD0000000  }
0x3: {  	_ = 	snop  }
0x4: {  	_ = 	snop  }
0x5: {  	_ = 	snop  }
0x6: {  	_ = 	snop  }
0x7: {  	_ = 	snop  }
__scs_overlays_trampoline_lowered:
0x8: {  	[smem:$0x3FAE] =	sst s0  }
0x9: {  	[smem:$0x3FAF] =	sst s1  }
0xa: {  	[smem:$0x3FB0] =	sst s2  }
0xb: {  	[smem:$0x3FB1] =	sst s3  }
0xc: {  	[smem:$0x3FB2] =	sst s4  }
0xd: {  	[smem:$0x3FB3] =	sst s5  }
0xe: {  	[smem:$0x3FB4] =	sst s6  }
0xf: {  	[smem:$0x3FB5] =	sst s7  }
0x10: {  	[smem:$0x3FB6] =	sst s8  }
0x11: {  	[smem:$0x3FB7] =	sst s9;
	s0 =	simm.s32 @!p0 $0x0  }
0x12: {  	s1 =	sld [smem:$0x3F9D];
	s0 =	simm.s32 @p0 $0x1  }
0x13: {  	[smem:$0x3FB8] =	sst s0;
	s0 =	simm.s32 @!p1 $0x0  }
0x14: {  	s2 =	sld [smem:$0x3F9C];
	s0 =	simm.s32 @p1 $0x1  }
0x15: {  	[smem:$0x3FB9] =	sst s0;
	s0 =	simm.s32 @!p2 $0x0  }
0x16: {  	s3 =	sld [smem:$0x3FDB];
	s0 =	simm.s32 @p2 $0x1  }
0x17: {  	s4 =	simm.s32 $0x1BF5;
	[smem:$0x3FBB] =	sst s0  }
0x18: {  	s0 =	sld [smem:$0x3F9E];
	_ =	swait.ge [sflag:s4], $0x0  }
0x19: {  	s7 =	sld [smem:$0x3F9F]  }
0x1a: {  	s8 =	sadd.s32 $0xFFFFE003, lr  }
0x1b: {  	s9 =	sadd.s32 $0xFFFFFEF7, lr;
	s5 =	simm.s32 $0xFFFFFFFF;
	p2 =	slt.u32 s8, $0xFFFFF086  }
0x1c: {  	p1 =	slt.u32 s9, $0xF7A;
	s5 =	simm.s32 @!p2 $0x0  }
0x1d: {  	s5 =	simm.s32 @p1 $0x1;
	p0 =	seq.s32 s7, s2  }
0x1e: {  	s7 =	smul.u32 @!p0 $0xF7A, s2;
	p2 =	seq.s32 @!p0 s5, $0x0  }
0x1f: {  	s9 =	smul.u32 $0xF7A, s1;
	s8 =	simm.s32 @!p0 $0x1BF5;
	p2 =	por !p2, p0  }
0x20: {  	[sflag:s8] =	ssyncset.s32 @!p0 $0xFFFFF086;
	s6 =	sadd.s32 @!p0 s3, s7;
	s7 =	simm.s32 @!p0 $0x108  }
0x21: {  	s3 =	sadd.s32 s3, s9;
	s6 =	sadd.s32 @!p0 $0x88, s6;
	s7 =	simm.s32 @p2 $0x1082  }
0x22: {  	[simem:s7], [sflag:s8] =	dma.local @!p0 [hbm:s6], $0xF7A  }
0x23: {  	s9 =	sor.u32 $0xD0000000, s2;
	s6 =	simm.s32 $0x108;
	_ =	swait.ge @!p0 [sflag:s8], $0x0  }
0x24: {  	s3 =	sadd.s32 $0x88, s3;
	s6 =	simm.s32 @!p1 $0x1082;
	[sflag:s4] =	ssyncset.s32 $0xFFFFF086  }
0x25: {  	[simem:s6], [sflag:s4] =	dma.local [hbm:s3], $0xF7A  }
0x26: {  	[smem:$0x3F9F] =	sst s1;
	(tag) =	ssettag s2;
	_ =	strace s9  }
0x27: {  	s1 =	sld [smem:$0x3FAF]  }
0x28: {  	s2 =	sld [smem:$0x3FB0]  }
0x29: {  	s4 =	sld [smem:$0x3FB2]  }
0x2a: {  	p0 =	seq.s32 s5, $0x0;
	s5 =	sld [smem:$0x3FB3]  }
0x2b: {  	s6 =	sld [smem:$0x3FB4]  }
0x2c: {  	s7 =	sld [smem:$0x3FB5]  }
0x2d: {  	s3 =	simm.s32 $0x108;
	s8 =	sld [smem:$0x3FB6]  }
0x2e: {  	s3 =	simm.s32 @!p0 $0x1082;
	s9 =	sld [smem:$0x3FB7]  }
0x2f: {  	lr =	sadd.s32 s0, s3;
	s0 =	sld [smem:$0x3FAE]  }
0x30: {  	s3 =	sld [smem:$0x3FB1]  }
0x31: {  	[smem:$0x3FBA] =	sst s10  }
0x32: {  	s10 =	sld [smem:$0x3FB8];
	_ =	sdelay $0x3  }
0x33: {  	p0 =	seq.s32 s10, $0x1;
	s10 =	sld [smem:$0x3FBA];
	_ =	sdelay $0x3  }
0x34: {  	[smem:$0x3FBA] =	sst s10  }
0x35: {  	s10 =	sld [smem:$0x3FB9];
	_ =	sdelay $0x3  }
0x36: {  	p1 =	seq.s32 s10, $0x1;
	s10 =	sld [smem:$0x3FBA];
	_ =	sdelay $0x3  }
0x37: {  	[smem:$0x3FBA] =	sst s10  }
0x38: {  	s10 =	sld [smem:$0x3FBB]  }
0x39: {  	_ = 	snop;
	(pc) =	sbr.ind lr, $3  }
0x3a: {  	_ = 	snop  }
0x3b: {  	_ = 	snop  }
0x3c: {  	p2 =	seq.s32 s10, $0x1;
	s10 =	sld [smem:$0x3FBA]  }
0x3d: {  	_ =	shalt  }
0x3e: {  	_ =	shalt  }
0x3f: {  	_ =	shalt  }
0x40: {  	_ =	shalt  }
0x41: {  	_ =	shalt  }
0x42: {  	_ =	shalt  }
0x43: {  	_ =	shalt  }
0x44: {  	_ =	shalt  }
0x45: {  	_ =	shalt  }
0x46: {  	_ =	shalt  }
0x47: {  	_ =	shalt  }
0x48: {  	_ =	shalt  }
0x49: {  	_ =	shalt  }
0x4a: {  	_ =	shalt  }
0x4b: {  	_ =	shalt  }
0x4c: {  	_ =	shalt  }
0x4d: {  	_ =	shalt  }
0x4e: {  	_ =	shalt  }
0x4f: {  	_ =	shalt  }
0x50: {  	_ =	shalt  }
0x51: {  	_ =	shalt  }
0x52: {  	_ =	shalt  }
0x53: {  	_ =	shalt  }
0x54: {  	_ =	shalt  }
0x55: {  	_ =	shalt  }
0x56: {  	_ =	shalt  }
0x57: {  	_ =	shalt  }
0x58: {  	_ =	shalt  }
0x59: {  	_ =	shalt  }
0x5a: {  	_ =	shalt  }
0x5b: {  	_ =	shalt  }
0x5c: {  	_ =	shalt  }
0x5d: {  	_ =	shalt  }
0x5e: {  	_ =	shalt  }
0x5f: {  	_ =	shalt  }
0x60: {  	_ =	shalt  }
0x61: {  	_ =	shalt  }
0x62: {  	_ =	shalt  }
0x63: {  	_ =	shalt  }
0x64: {  	_ =	shalt  }
0x65: {  	_ =	shalt  }
0x66: {  	_ =	shalt  }
0x67: {  	_ =	shalt  }
0x68: {  	_ =	shalt  }
0x69: {  	_ =	shalt  }
0x6a: {  	_ =	shalt  }
0x6b: {  	_ =	shalt  }
0x6c: {  	_ =	shalt  }
0x6d: {  	_ =	shalt  }
0x6e: {  	_ =	shalt  }
0x6f: {  	_ =	shalt  }
0x70: {  	_ =	shalt  }
0x71: {  	_ =	shalt  }
0x72: {  	_ =	shalt  }
0x73: {  	_ =	shalt  }
0x74: {  	_ =	shalt  }
0x75: {  	_ =	shalt  }
0x76: {  	_ =	shalt  }
0x77: {  	_ =	shalt  }
0x78: {  	_ =	shalt  }
0x79: {  	_ =	shalt  }
0x7a: {  	_ =	shalt  }
0x7b: {  	_ =	shalt  }
0x7c: {  	_ =	shalt  }
0x7d: {  	_ =	shalt  }
0x7e: {  	_ =	shalt  }
0x7f: {  	_ =	shalt  }
0x80: {  	_ =	shalt  }
0x81: {  	_ =	shalt  }
0x82: {  	_ =	shalt  }
0x83: {  	_ =	shalt  }
0x84: {  	_ =	shalt  }
0x85: {  	_ =	shalt  }
0x86: {  	_ =	shalt  }
0x87: {  	_ =	shalt  }
.Lfunc_end0:
.L_simem_size_0:
called_computation_lowered:
.L_overlay_start_0:
0x88: {  	s2 =	sld [smem:$0x3FD9]  }
0x89: {  	s3 =	sld [smem:$0x3FFE];
	_ =	sdelay $0x1  }
0x8a: {  	s1 =	srdreg.scid  }
0x8b: {  	s0 =	sand.u32 $0x1, s1  }
0x8c: {  	s14 =	sshll.u32 s0, $0xA;
	s2 =	sadd.s32 s3, s2  }
0x8d: {  	s2 =	sadd.s32 s2, s14  }
0x8e: {  	[smem:$0x3FC6] =	sst s2  }
0x8f: {  	_ = 	snop  }
0x90: {  	s2 =	sld [smem:$0x3FD0];
	_ =	sdelay $0x2  }
0x91: {  	s15 =	simm.s32 $0xA;
	s4 =	simm.s32 $0x10  }
0x92: {  	[smem:s4], [sflag:s15] =	dma.local [hbm:s2], $0x1  }
0x93: {  	_ =	swait.eq [sflag:s15], $0x1  }
0x94: {  	[sflag:s15] =	ssyncset.done $0x0  }
0x95: {  	[sflag:s15] =	ssyncadd.s32 $0xFFFFFFFF  }
0x96: {  	s16 =	sld [smem:$0x10];
	(tm) =	ssettm $0x1  }
0x97: {  	s17 =	sld [smem:$0x3FFB];
	_ =	sdelay $0x3  }
0x98: {  	_ =	strace s17  }
0x99: {  	s3 =	sld [smem:$0x3FFC];
	_ =	sdelay $0x3  }
0x9a: {  	_ =	strace s3  }
0x9b: {  	s3 =	sld [smem:$0x3FFD];
	_ =	sdelay $0x3  }
0x9c: {  	_ =	strace s3  }
0x9d: {  	_ =	strace $0x8FFFFFFF  }
0x9e: {  	s18 =	sld [smem:$0x3FDB];
	_ =	sdelay $0x1  }
0x9f: {  	s19 =	simm.s32 $_scs_section_size  }
0xa0: {  	s5 =	simm.s32 $_size__tile_overlayer_lowered;
	s6 =	simm.s32 $_tile_overlayer_lowered  }
0xa1: {  	s22 =	simm.s32 $0x1BFF;
	s21 =	sshll.u32 s6, $0x1;
	s3 =	sadd.s32 s19, s18  }
0xa2: {  	s7 =	simm.s32 $0x0;
	s20 =	sshll.u32 s5, $0x1;
	s5 =	sadd.s32 s21, s3  }
0xa3: {  	[timem:s7], [sflag:s22] =	dma.local [hbm:s5], s20  }
0xa4: {  	_ =	swait.ge [sflag:s22], s20  }
0xa5: {  	s4 =	ssub.s32 $0x0, s20;
	[sflag:s22] =	ssyncset.done $0x0  }
0xa6: {  	[sflag:s22] =	ssyncadd.s32 s4;
	_ =	sdelay $0x1  }
0xa7: {  	s23 =	simm.s32 $0x1B8B  }
0xa8: {  	_ =	swait.ge [sflag:s23], $0x1  }
0xa9: {  	[sflag:s23] =	ssyncset.done $0x0  }
0xaa: {  	s25 =	simm.s32 $0x1B8E;
	s24 =	sld [smem:$0x3FFE];
	[sflag:s23] =	ssyncadd.s32 $0xFFFFFFFF  }
0xab: {  	s26 =	simm.s32 $execute0_lowered;
	[smem:$0x3FD2] =	sst s25  }
0xac: {  	s5 =	sshll.u32 s26, $0x1;
	_ =	strace $0x80000046;
	[dreg:$0x1] =	wrdreg $0xFFFFFFFF  }
0xad: {  	s28 =	simm.s32 $_size_execute0_lowered;
	s3 =	sadd.s32 s3, s5;
	[dreg:$0x0] =	wrdreg $0x0  }
0xae: {  	s5 =	sshll.u32 s28, $0x1;
	[dreg:$0x2] =	wrdreg s3  }
0xaf: {  	[dreg:$0x3] =	wrdreg s5  }
0xb0: {  	[dreg:$0x4] =	wrdreg $0xC0  }
0xb1: {  	_ =	task [dreg:s7], $0x5FFFF  }
0xb2: {  	[dreg:$0x1] =	wrdreg $0xFFFFFFFF  }
0xb3: {  	[dreg:$0x0] =	wrdreg $0x60  }
0xb4: {  	[dreg:$0x2] =	wrdreg s24  }
0xb5: {  	[dreg:$0x3] =	wrdreg s16  }
0xb6: {  	[dreg:$0x4] =	wrdreg $0x9  }
0xb7: {  	_ =	task.clear_ibuf [dreg:s7], $0x5FFFF;
	_ =	strace $0x90000046  }
0xb8: {  	s29 =	simm.s32 $0x9;
	_ =	strace $0x80000048  }
0xb9: {  	_ =	swait.ge [sflag:s29], $0x1  }
0xba: {  	[sflag:s29] =	ssyncadd.s32 $0xFFFFFFFF  }
0xbb: {  	_ =	strace $0x90000048  }
0xbc: {  	_ =	sfence  }
0xbd: {  	s30 =	sld [smem:$0x0];
	_ =	sdelay $0x2  }
0xbe: {  	s31 =	sshll.u32 s1, $0xD;
	s1 =	sshrl.u32 s1, $0x2  }
0xbf: {  	s3 =	sand.u32 $0x4000, s31;
	s1 =	sadd.s32 s1, s30  }
0xc0: {  	s0 =	sor.u32 s3, s0;
	s1 =	sshll.u32 s1, $0x11  }
0xc1: {  	s0 =	sor.u32 s1, s0  }
0xc2: {  	s0 =	sadd.s32 $0x8F2B, s0  }
0xc3: {  	[sflag:s0] =	ssyncadd.remote.s32 $0x1  }
0xc4: {  	_ =	sfence.sel $0xFFFF  }
0xc5: {  	[dreg:$0x0] =	wrdreg $0xFFFFFFFF;
	(pc) =	sbr.abs _section_cstart, $3  }
0xc6: {  	[dreg:$0x1] =	wrdreg $0xFFFFFFFF  }
0xc7: {  	_ =	task.clear_ibuf [dreg:s7], $0x2FFFF;
	_ =	strace $0x9FFFFFFF  }
0xc8: {  	(tm) =	ssettm $0x7FFFFFFF  }
0xc9: {  	_ =	shalt  }
tec
execute0_lowered:
.L_overlay_start_1:
0x0: {  	(tag) =	ssettag $0x1  }
0x1: {  	s1 =	srdreg.scid  }
0x2: {  	s0 =	stileid.u32;
	s6 =	sand.u32 $0x1, s1  }
0x3: {  	s2 =	rddreg [dreg:$0x0];
	s30 =	sshll.u32 s0, $0x8;
	s3 =	sshll.u32 s6, $0x7  }
0x4: {  	s8 =	rddreg [dreg:$0x1];
	s9 =	sor.u32 s3, s30  }
0x5: {  	s1 =	rddreg [dreg:$0x2];
	s3 =	simm.s32 $0x0;
	s4 =	sshrl.u32 s9, $0x3  }
0x6: {  	s10 =	ssub.s32 $0x2, s6;
	[smem:$0x7FF] =	sst s3;
	s4 =	sadd.s32 s4, s2  }
0x7: {  	_ =	strace $0x80000047;
	s5 =	sadd.s32 $0x10000, s4;
	s4 =	simm.s32 $0x2  }
0x8: {  	[tilespmem:s3], [sflag:$0x2] =	stream.linear.gather [hbm4b:s5+s3], $0x80, $0x38;
	[tilespmem:$0x1080] =	vst v63  }
0x9: {  	s11 =	sshrl.u32 s10, $0x1;
	_ =	swait.ge [sflag:s4], $0x80  }
0xa: {  	s7 =	simm.s32 $0x1;
	s10 =	ssub.s32 s10, s11;
	[sflag:s4] =	ssyncset.done $0x0  }
0xb: {  	s6 =	simm.s32 $0x80;
	s31 =	smax.u32 s10, $0x1;
	[sflag:s4] =	ssyncadd.s32 $0xFFFFFF80  }
0xc: {  	[tilespmem:s6], [sflag:$0x1] =	stream.indirect.gather [hbm4b:s2+s6], $0x20, s3, s6, $0xb8;
	[tilespmem:$0x1080] =	vst v63  }
0xd: {  	p0 =	sne.s32 s31, $0x1;
	_ =	swait.ge [sflag:s7], $0x1000  }
.Ltmp0:
0xe: {  	s9 =	sshll.u32 s9, $0x2;
	[sflag:s7] =	ssyncset.done $0x0;
	(pc) =	sbr.rel @!p0 .LBB2_2-.Ltmp0, $4  }
0xf: {  	s8 =	sadd.s32 s8, s9;
	[sflag:s7] =	ssyncadd.s32 $0xFFFFF000  }
0x10: {  	[hbm4b:s8+s3] =	stream.linear.scatter [tilespmem:s6], [sflag:$0x2], $0x1000, $0x38;
	[tilespmem:$0x1080] =	vst v63  }
0x11: {  	_ =	swait.ge [sflag:s4], $0x1000  }
0x12: {  	s9 =	sadd.s32 $0xFFFFFFFF, s31;
	[sflag:s4] =	ssyncset.done $0x0  }
.LBB2_1:
0x13: {  	p0 =	sne.s32 s9, $0x1;
	s9 =	sadd.s32 $0xFFFFFFFF, s9;
	[sflag:s4] =	ssyncadd.s32 $0xFFFFF000  }
0x14: {  	[tilespmem:s3], [sflag:$0x2] =	stream.linear.gather [hbm4b:s5+s3], $0x80, $0x38;
	[tilespmem:$0x1080] =	vst v63  }
0x15: {  	_ =	swait.ge [sflag:s4], $0x80  }
0x16: {  	[sflag:s4] =	ssyncset.done $0x0  }
0x17: {  	[sflag:s4] =	ssyncadd.s32 $0xFFFFFF80  }
0x18: {  	[tilespmem:s6], [sflag:$0x1] =	stream.indirect.gather [hbm4b:s2+s6], $0x20, s3, s6, $0xb8;
	[tilespmem:$0x1080] =	vst v63  }
0x19: {  	_ =	swait.ge [sflag:s7], $0x1000  }
.Ltmp1:
0x1a: {  	[sflag:s7] =	ssyncset.done $0x0;
	(pc) =	sbr.rel @p0 .LBB2_1-.Ltmp1, $4  }
0x1b: {  	[sflag:s7] =	ssyncadd.s32 $0xFFFFF000  }
0x1c: {  	[hbm4b:s8+s3] =	stream.linear.scatter [tilespmem:s6], [sflag:$0x2], $0x1000, $0x38;
	[tilespmem:$0x1080] =	vst v63  }
0x1d: {  	_ =	swait.ge [sflag:s4], $0x1000  }
0x1e: {  	[sflag:s4] =	ssyncset.done $0x0  }
.LBB2_2:
0x1f: {  	[sflag:s4] =	ssyncadd.s32 $0xFFFFF000  }
0x20: {  	_ =	sfence.sel $0x180000  }
0x21: {  	[bflag:$0x0] =	sbarrier.arrive $0xFFFF  }
0x22: {  	p0 =	sne.s32 s0, $0x0;
	_ =	strace $0x90000047  }
0x23: {  	s0 =	sadd.s32 @!p0 $0x100000, s1;
	[bflag:$0x2] =	sbarrier.arrive $0xFFFF  }
0x24: {  	[sflag:s0] =	ssyncadd.tile.s32 @!p0 $0x1;
	_ =	shalt  }
.Lfunc_end2:
_tile_overlayer_lowered:
.L_overlay_start_2:
0x25: {  	(tag) =	ssettag $0x2  }
0x26: {  	s0 =	rddreg [dreg:$0x0];
	s2 =	stileid.u32  }
0x27: {  	s1 =	rddreg [dreg:$0x1];
	p0 =	sne.s32 s2, $0x0  }
0x28: {  	s3 =	rddreg [dreg:$0x2];
	[bflag:$0x3] =	sbarrier.arrive $0xFFFF;
	s2 =	simm.s32 @!p0 $0x1C02  }
0x29: {  	[timem:s3], [sflag:s2] =	dma.local @!p0 [hbm:s0], s1  }
0x2a: {  	s0 =	simm.s32 @!p0 $0x2  }
0x2b: {  	_ =	swait.ge @!p0 [sflag:s0], s1  }
0x2c: {  	s1 =	ssub.s32 @!p0 $0x0, s1;
	[sflag:s0] =	ssyncset.done @!p0 $0x0  }
0x2d: {  	[sflag:s0] =	ssyncadd.s32 @!p0 s1  }
0x2e: {  	[bflag:$0x3] =	sbarrier.arrive $0xFFFF  }
0x2f: {  	_ =	shalt  }

</sc_bundles>
